<compile_context>
chip_gen: v7x
topology: tpu7x:2x2x1
jax: 0.10.2.dev20260603
libtpu: 0.0.44.dev20260713+nightly
codegen_flags: <defaults>
</compile_context>

<pallas_src>
import functools

import jax
import jax.numpy as jnp
from jax import lax
from jax.experimental import pallas as pl
from jax.experimental.pallas import tpu as pltpu
from jax.experimental.pallas import tpu_sc as plsc

_B, _T, _C = 4, 512, 768
_G, _V = 2, 320
_TE = 64
_GV = _G * _V
_ROWS = _B * _T
_CHUNKS = _B * _G
_RPC = _ROWS // _CHUNKS
_FLAT = _RPC * _GV
_EMB = _G * _TE

_CPS = 4
_STEPS = _CHUNKS // _CPS

_NW = 32
_RPW = _ROWS // _NW
_TPC = _NW // _CHUNKS


def _tc_body(x_ref, w_ref, b_ref, prm_ref):
    s = pl.program_id(0)
    w = w_ref[...]
    bvec = b_ref[...]
    rows = lax.broadcasted_iota(jnp.int32, (_RPC, _GV), 0)
    cols = lax.broadcasted_iota(jnp.int32, (_RPC, _GV), 1)
    flat = rows * _GV + cols
    lane = lax.broadcasted_iota(jnp.int32, (1, 128), 1)
    for h in range(_CPS):
        x = x_ref[pl.ds(h * _RPC, _RPC), :]
        p = lax.dot_general(x, w, (((1,), (1,)), ((), ())),
                            preferred_element_type=jnp.float32)
        p = p + bvec
        m = jnp.max(p)
        k = jnp.min(jnp.where(p == m, flat, _FLAT))
        r = k // _GV
        c = k - r * _GV
        r_glob = (s * _CPS + h) * _RPC + r
        rowvec = jnp.where(lane == 0, r_glob, jnp.where(lane == 1, c, 0))
        prm_ref[pl.ds(s * _CPS + h, 1), :] = rowvec


def _tc_argmax(X2, W, b2):
    return pl.pallas_call(
        _tc_body,
        grid=(_STEPS,),
        in_specs=[
            pl.BlockSpec((_CPS * _RPC, _C), lambda j: (j, 0)),
            pl.BlockSpec((_GV, _C), lambda j: (0, 0)),
            pl.BlockSpec((1, _GV), lambda j: (0, 0)),
        ],
        out_specs=pl.BlockSpec((_CHUNKS, 128), lambda j: (0, 0)),
        out_shape=jax.ShapeDtypeStruct((_CHUNKS, 128), jnp.int32),
        compiler_params=pltpu.CompilerParams(
            dimension_semantics=("arbitrary",)),
    )(X2, W, b2)


@functools.partial(
    pl.kernel,
    mesh=plsc.VectorSubcoreMesh(core_axis_name="c", subcore_axis_name="s"),
    out_type=jax.ShapeDtypeStruct((_ROWS, _EMB), jnp.float32),
    scratch_types=[
        pltpu.VMEM((_RPW, _EMB), jnp.float32),
        pltpu.VMEM((_CHUNKS, 128), jnp.int32),
        pltpu.VMEM((1, _TE), jnp.float32),
    ],
)
def _sc_select(prm_hbm, cb_hbm, out_hbm, buf_v, prm_v, row_v):
    wid = lax.axis_index("s") * 2 + lax.axis_index("c")
    base = wid * _RPW
    j = wid // _TPC
    pltpu.sync_copy(prm_hbm, prm_v)
    z16 = jnp.zeros((16,), jnp.float32)

    def _zero_row(r, carry):
        for l in range(_EMB // 16):
            buf_v[r, pl.ds(l * 16, 16)] = z16
        return carry

    lax.fori_loop(0, _RPW, _zero_row, 0)

    v = prm_v[j, pl.ds(0, 16)]
    r_glob = v[0]
    c = v[1]

    @pl.when(jnp.logical_and(r_glob >= base, r_glob < base + _RPW))
    def _():
        pltpu.sync_copy(cb_hbm.at[pl.ds(c, 1)], row_v)
        local = r_glob - base
        off = (c // _V) * _TE
        for l in range(_TE // 16):
            buf_v[local, pl.ds(off + l * 16, 16)] = row_v[0, pl.ds(l * 16, 16)]

    pltpu.sync_copy(buf_v, out_hbm.at[pl.ds(base, _RPW)])


def kernel(X, W, b, codebook):
    X2 = X.reshape(_ROWS, _C)
    cb = codebook.reshape(_GV, _TE)
    b2 = b.reshape(1, _GV)
    prm = _tc_argmax(X2, W, b2)
    out = _sc_select(prm, cb)
    return out.reshape(_B, _T, _EMB)

# --- scband reference (transcript-rebuilt; emitter-appended) ---
"""Pipeline reference for scband-vector-quantization-54477365182886 (READ-ONLY COPY).

The authoritative reference and input builder live on the scoring server;
editing this copy changes nothing except your own understanding.
"""

import jax, jax.numpy as jnp
import numpy as np

B, T, C = 4, 512, 768
G, V = 2, 320
EMB = 128
TE = EMB // G  # 64

def setup_inputs(seed: int = 0) -> dict:
    key = jax.random.key(seed)
    k1, k2, k3 = jax.random.split(key, 3)
    X = jax.random.normal(k1, (B, T, C), dtype=jnp.float32)
    # weight_proj: nn.Linear(input_dim, G*V) with normal(0,1) weight, zero bias
    W = jax.random.normal(k2, (G * V, C), dtype=jnp.float32)
    b = jnp.zeros((G * V,), dtype=jnp.float32)
    # codebook: uniform init, shape [1, G*V, true_emb]
    codebook = jax.random.uniform(k3, (1, G * V, TE), dtype=jnp.float32)
    return {"X": X, "W": W, "b": b, "codebook": codebook}

def reference(X, W, b, codebook):
    # Faithful eval-mode (self.training=False) translation of VectorQuantization.forward
    nb, nt, nf = X.shape
    Xp = X @ W.T + b                       # [B, T, G*V]
    # NOTE: original code reshapes to (n_batch * groups_dim, -1) -- replicated faithfully
    Xf = Xp.reshape(nb * G, -1)            # [B*G, T*V]
    k = jnp.argmax(Xf, axis=-1)            # [B*G]
    # scatter_(-1, k, 1.0) on zeros == one-hot along last dim
    hard = jax.nn.one_hot(k, Xf.shape[-1], dtype=Xf.dtype)  # [B*G, T*V]
    hard = hard.reshape(nb * nt, G, -1)    # [B*T, G, V]
    Xq = hard.reshape(nb * nt, -1)         # [B*T, G*V]
    Y = Xq[:, :, None] * codebook          # [B*T, G*V, TE] (broadcast over leading 1)
    Y = Y.reshape(nb * nt, G, V, -1)
    Y = Y.sum(-2)                          # [B*T, G, TE]
    Y = Y.reshape(nb, nt, -1)              # [B, T, EMB], time_first=True so no transpose
    return Y

if __name__ == "__main__":
    import jax
    _d = setup_inputs()
    print(jax.jit(kernel)(*tuple(_d.values())))

</pallas_src>

<mosaic_0001>
#map = affine_map<(d0, d1) -> (0, 0)>
module attributes {stable_mosaic.version = 14 : i64} {
  func.func @_sc_select(%arg0: i32, %arg1: i32, %arg2: memref<8x128xi32, #tpu.memory_space<hbm>>, %arg3: memref<640x64xf32, #tpu.memory_space<hbm>>, %arg4: memref<2048x128xf32, #tpu.memory_space<hbm>>, %arg5: memref<64x128xf32, #tpu.memory_space<vmem>>, %arg6: memref<8x128xi32, #tpu.memory_space<vmem>>, %arg7: memref<1x64xf32, #tpu.memory_space<vmem>>) attributes {dimension_semantics = [#tpu.dimension_semantics<core_parallel>, #tpu.dimension_semantics<subcore_parallel>], iteration_bounds = array<i64: 2, 16>, scalar_prefetch = 0 : i64, scratch_operands = 3 : i64, tpu.core_type = #tpu.core_type<sc_vector_subcore>, window_params = [{transform_indices = #map}, {transform_indices = #map}, {transform_indices = #map}]} {
    %mul3A = arith.constant 2 : i32
    %mul3A_0 = arith.muli %arg1, %mul3A : i32
    %add3A = arith.addi %mul3A_0, %arg0 : i32
    %mul3A_1 = arith.constant 64 : i32
    %mul3A_2 = arith.muli %add3A, %mul3A_1 : i32
    %jit3A = arith.constant 4 : i32
    %div3A = arith.divsi %add3A, %jit3A : i32
    %sign3A = arith.constant 0 : i32
    %sign3A_3 = arith.cmpi sgt, %add3A, %sign3A : i32
    %sign3A_4 = arith.extui %sign3A_3 : i1 to i32
    %sign3A_5 = arith.constant 0 : i32
    %sign3A_6 = arith.cmpi slt, %add3A, %sign3A_5 : i32
    %sign3A_7 = arith.extui %sign3A_6 : i1 to i32
    %sign3A_8 = arith.subi %sign3A_4, %sign3A_7 : i32
    %sign3A_9 = arith.constant 0 : i32
    %sign3A_10 = arith.cmpi sgt, %jit3A, %sign3A_9 : i32
    %sign3A_11 = arith.extui %sign3A_10 : i1 to i32
    %sign3A_12 = arith.constant 0 : i32
    %sign3A_13 = arith.cmpi slt, %jit3A, %sign3A_12 : i32
    %sign3A_14 = arith.extui %sign3A_13 : i1 to i32
    %sign3A_15 = arith.subi %sign3A_11, %sign3A_14 : i32
    %ne3A = arith.cmpi ne, %sign3A_8, %sign3A_15 : i32
    %rem3A = arith.remsi %add3A, %jit3A : i32
    %ne3A_16 = arith.constant 0 : i32
    %ne3A_17 = arith.cmpi ne, %rem3A, %ne3A_16 : i32
    %and3A = arith.andi %ne3A, %ne3A_17 : i1
    %sub3A = arith.constant 1 : i32
    %sub3A_18 = arith.subi %div3A, %sub3A : i32
    %select_n3A = arith.select %and3A, %sub3A_18, %div3A : i32
    "tpu.region"() ({
      %run_scoped3A = tpu.sem_alloc : memref<!tpu.dma_semaphore, #tpu.memory_space<semaphore_mem>>
      tpu.enqueue_dma source(%arg2 : memref<8x128xi32, #tpu.memory_space<hbm>>) target(%arg6 : memref<8x128xi32, #tpu.memory_space<vmem>>) target_semaphore(%run_scoped3A : memref<!tpu.dma_semaphore, #tpu.memory_space<semaphore_mem>>)
      tpu.wait_dma2 semaphore(%run_scoped3A : memref<!tpu.dma_semaphore, #tpu.memory_space<semaphore_mem>>) src(%arg2 : memref<8x128xi32, #tpu.memory_space<hbm>>) dst(%arg6 : memref<8x128xi32, #tpu.memory_space<vmem>>)
      tpu.yield
    }) : () -> ()
    %broadcast_in_dim3A = arith.constant 0.000000e+00 : f32
    %broadcast_in_dim3A_19 = vector.broadcast %broadcast_in_dim3A : f32 to vector<16xf32>
    %scan3A = arith.constant 0 : i32
    %scan3A_20 = arith.constant 0 : i32
    %scan3A_21 = arith.constant 64 : i32
    %scan3A_22 = arith.addi %scan3A_20, %scan3A_21 : i32
    %scan3A_23 = arith.constant 1 : i32
    scf.for %scan3A_34 = %scan3A_20 to %scan3A_22 step %scan3A_23  : i32 {
      %swap3A = arith.index_cast %scan3A_34 : i32 to index
      %swap3A_35 = arith.constant 0 : index
      %swap3A_36 = tpu.vector_load %arg5[%swap3A, %swap3A_35] {strides = array<i32>} : memref<64x128xf32, #tpu.memory_space<vmem>>, vector<1x16xf32>,
      %swap3A_37 = vector.shape_cast %swap3A_36 : vector<1x16xf32> to vector<16xf32>
      %swap3A_38 = vector.shape_cast %broadcast_in_dim3A_19 : vector<16xf32> to vector<1x16xf32>
      tpu.vector_store %arg5[%swap3A, %swap3A_35], %swap3A_38 {strides = array<i32>} : memref<64x128xf32, #tpu.memory_space<vmem>>, vector<1x16xf32>,
      %swap3A_39 = arith.index_cast %scan3A_34 : i32 to index
      %swap3A_40 = arith.constant 16 : index
      %swap3A_41 = tpu.vector_load %arg5[%swap3A_39, %swap3A_40] {strides = array<i32>} : memref<64x128xf32, #tpu.memory_space<vmem>>, vector<1x16xf32>,
      %swap3A_42 = vector.shape_cast %swap3A_41 : vector<1x16xf32> to vector<16xf32>
      %swap3A_43 = vector.shape_cast %broadcast_in_dim3A_19 : vector<16xf32> to vector<1x16xf32>
      tpu.vector_store %arg5[%swap3A_39, %swap3A_40], %swap3A_43 {strides = array<i32>} : memref<64x128xf32, #tpu.memory_space<vmem>>, vector<1x16xf32>,
      %swap3A_44 = arith.index_cast %scan3A_34 : i32 to index
      %swap3A_45 = arith.constant 32 : index
      %swap3A_46 = tpu.vector_load %arg5[%swap3A_44, %swap3A_45] {strides = array<i32>} : memref<64x128xf32, #tpu.memory_space<vmem>>, vector<1x16xf32>,
      %swap3A_47 = vector.shape_cast %swap3A_46 : vector<1x16xf32> to vector<16xf32>
      %swap3A_48 = vector.shape_cast %broadcast_in_dim3A_19 : vector<16xf32> to vector<1x16xf32>
      tpu.vector_store %arg5[%swap3A_44, %swap3A_45], %swap3A_48 {strides = array<i32>} : memref<64x128xf32, #tpu.memory_space<vmem>>, vector<1x16xf32>,
      %swap3A_49 = arith.index_cast %scan3A_34 : i32 to index
      %swap3A_50 = arith.constant 48 : index
      %swap3A_51 = tpu.vector_load %arg5[%swap3A_49, %swap3A_50] {strides = array<i32>} : memref<64x128xf32, #tpu.memory_space<vmem>>, vector<1x16xf32>,
      %swap3A_52 = vector.shape_cast %swap3A_51 : vector<1x16xf32> to vector<16xf32>
      %swap3A_53 = vector.shape_cast %broadcast_in_dim3A_19 : vector<16xf32> to vector<1x16xf32>
      tpu.vector_store %arg5[%swap3A_49, %swap3A_50], %swap3A_53 {strides = array<i32>} : memref<64x128xf32, #tpu.memory_space<vmem>>, vector<1x16xf32>,
      %swap3A_54 = arith.index_cast %scan3A_34 : i32 to index
      %swap3A_55 = arith.constant 64 : index
      %swap3A_56 = tpu.vector_load %arg5[%swap3A_54, %swap3A_55] {strides = array<i32>} : memref<64x128xf32, #tpu.memory_space<vmem>>, vector<1x16xf32>,
      %swap3A_57 = vector.shape_cast %swap3A_56 : vector<1x16xf32> to vector<16xf32>
      %swap3A_58 = vector.shape_cast %broadcast_in_dim3A_19 : vector<16xf32> to vector<1x16xf32>
      tpu.vector_store %arg5[%swap3A_54, %swap3A_55], %swap3A_58 {strides = array<i32>} : memref<64x128xf32, #tpu.memory_space<vmem>>, vector<1x16xf32>,
      %swap3A_59 = arith.index_cast %scan3A_34 : i32 to index
      %swap3A_60 = arith.constant 80 : index
      %swap3A_61 = tpu.vector_load %arg5[%swap3A_59, %swap3A_60] {strides = array<i32>} : memref<64x128xf32, #tpu.memory_space<vmem>>, vector<1x16xf32>,
      %swap3A_62 = vector.shape_cast %swap3A_61 : vector<1x16xf32> to vector<16xf32>
      %swap3A_63 = vector.shape_cast %broadcast_in_dim3A_19 : vector<16xf32> to vector<1x16xf32>
      tpu.vector_store %arg5[%swap3A_59, %swap3A_60], %swap3A_63 {strides = array<i32>} : memref<64x128xf32, #tpu.memory_space<vmem>>, vector<1x16xf32>,
      %swap3A_64 = arith.index_cast %scan3A_34 : i32 to index
      %swap3A_65 = arith.constant 96 : index
      %swap3A_66 = tpu.vector_load %arg5[%swap3A_64, %swap3A_65] {strides = array<i32>} : memref<64x128xf32, #tpu.memory_space<vmem>>, vector<1x16xf32>,
      %swap3A_67 = vector.shape_cast %swap3A_66 : vector<1x16xf32> to vector<16xf32>
      %swap3A_68 = vector.shape_cast %broadcast_in_dim3A_19 : vector<16xf32> to vector<1x16xf32>
      tpu.vector_store %arg5[%swap3A_64, %swap3A_65], %swap3A_68 {strides = array<i32>} : memref<64x128xf32, #tpu.memory_space<vmem>>, vector<1x16xf32>,
      %swap3A_69 = arith.index_cast %scan3A_34 : i32 to index
      %swap3A_70 = arith.constant 112 : index
      %swap3A_71 = tpu.vector_load %arg5[%swap3A_69, %swap3A_70] {strides = array<i32>} : memref<64x128xf32, #tpu.memory_space<vmem>>, vector<1x16xf32>,
      %swap3A_72 = vector.shape_cast %swap3A_71 : vector<1x16xf32> to vector<16xf32>
      %swap3A_73 = vector.shape_cast %broadcast_in_dim3A_19 : vector<16xf32> to vector<1x16xf32>
      tpu.vector_store %arg5[%swap3A_69, %swap3A_70], %swap3A_73 {strides = array<i32>} : memref<64x128xf32, #tpu.memory_space<vmem>>, vector<1x16xf32>,
    }
    %scan3A_24 = arith.constant 64 : i32
    %get3A = arith.index_cast %select_n3A : i32 to index
    %get3A_25 = arith.constant 0 : index
    %get3A_26 = tpu.vector_load %arg6[%get3A, %get3A_25] {strides = array<i32>} : memref<8x128xi32, #tpu.memory_space<vmem>>, vector<1x16xi32>,
    %get3A_27 = vector.shape_cast %get3A_26 : vector<1x16xi32> to vector<16xi32>
    %slice3A = vector.extract_strided_slice %get3A_27 {offsets = [0], sizes = [1], strides = [1]} : vector<16xi32> to vector<1xi32>
    %squeeze3A = vector.extract %slice3A[0] : i32 from vector<1xi32>
    %slice3A_28 = vector.extract_strided_slice %get3A_27 {offsets = [1], sizes = [1], strides = [1]} : vector<16xi32> to vector<1xi32>
    %squeeze3A_29 = vector.extract %slice3A_28[0] : i32 from vector<1xi32>
    %ge3A = arith.cmpi sge, %squeeze3A, %mul3A_2 : i32
    %add3A_30 = arith.constant 64 : i32
    %add3A_31 = arith.addi %mul3A_2, %add3A_30 : i32
    %lt3A = arith.cmpi slt, %squeeze3A, %add3A_31 : i32
    %and3A_32 = arith.andi %ge3A, %lt3A : i1
    %convert_element_type3A = arith.extui %and3A_32 : i1 to i32
    %cond3A = arith.constant 0 : i32
    %cond3A_33 = arith.cmpi ne, %convert_element_type3A, %cond3A : i32
    scf.if %cond3A_33 {
      "tpu.region"() ({
        %run_scoped3A = tpu.sem_alloc : memref<!tpu.dma_semaphore, #tpu.memory_space<semaphore_mem>>
        %dma_start3A = arith.constant 0 : i32
        %dma_start3A_108 = tpu.memref_slice %arg3[%squeeze3A_29, %dma_start3A] : memref<640x64xf32, #tpu.memory_space<hbm>> -> memref<1x64xf32, #tpu.memory_space<hbm>>
        %dma_start3A_109 = arith.constant 0 : i32
        %dma_start3A_110 = tpu.memref_slice %arg3[%squeeze3A_29, %dma_start3A_109] : memref<640x64xf32, #tpu.memory_space<hbm>> -> memref<1x64xf32, #tpu.memory_space<hbm>>
        tpu.enqueue_dma source(%dma_start3A_110 : memref<1x64xf32, #tpu.memory_space<hbm>>) target(%arg7 : memref<1x64xf32, #tpu.memory_space<vmem>>) target_semaphore(%run_scoped3A : memref<!tpu.dma_semaphore, #tpu.memory_space<semaphore_mem>>)
        %dma_wait3A = arith.constant 0 : i32
        %dma_wait3A_111 = tpu.memref_slice %arg3[%squeeze3A_29, %dma_wait3A] : memref<640x64xf32, #tpu.memory_space<hbm>> -> memref<1x64xf32, #tpu.memory_space<hbm>>
        %dma_wait3A_112 = arith.constant 0 : i32
        %dma_wait3A_113 = tpu.memref_slice %arg3[%squeeze3A_29, %dma_wait3A_112] : memref<640x64xf32, #tpu.memory_space<hbm>> -> memref<1x64xf32, #tpu.memory_space<hbm>>
        tpu.wait_dma2 semaphore(%run_scoped3A : memref<!tpu.dma_semaphore, #tpu.memory_space<semaphore_mem>>) src(%dma_wait3A_113 : memref<1x64xf32, #tpu.memory_space<hbm>>) dst(%arg7 : memref<1x64xf32, #tpu.memory_space<vmem>>)
        tpu.yield
      }) : () -> ()
      %sub3A_34 = arith.subi %squeeze3A, %mul3A_2 : i32
      %jit3A_35 = arith.constant 320 : i32
      %div3A_36 = arith.divsi %squeeze3A_29, %jit3A_35 : i32
      %sign3A_37 = arith.constant 0 : i32
      %sign3A_38 = arith.cmpi sgt, %squeeze3A_29, %sign3A_37 : i32
      %sign3A_39 = arith.extui %sign3A_38 : i1 to i32
      %sign3A_40 = arith.constant 0 : i32
      %sign3A_41 = arith.cmpi slt, %squeeze3A_29, %sign3A_40 : i32
      %sign3A_42 = arith.extui %sign3A_41 : i1 to i32
      %sign3A_43 = arith.subi %sign3A_39, %sign3A_42 : i32
      %sign3A_44 = arith.constant 0 : i32
      %sign3A_45 = arith.cmpi sgt, %jit3A_35, %sign3A_44 : i32
      %sign3A_46 = arith.extui %sign3A_45 : i1 to i32
      %sign3A_47 = arith.constant 0 : i32
      %sign3A_48 = arith.cmpi slt, %jit3A_35, %sign3A_47 : i32
      %sign3A_49 = arith.extui %sign3A_48 : i1 to i32
      %sign3A_50 = arith.subi %sign3A_46, %sign3A_49 : i32
      %ne3A_51 = arith.cmpi ne, %sign3A_43, %sign3A_50 : i32
      %rem3A_52 = arith.remsi %squeeze3A_29, %jit3A_35 : i32
      %ne3A_53 = arith.constant 0 : i32
      %ne3A_54 = arith.cmpi ne, %rem3A_52, %ne3A_53 : i32
      %and3A_55 = arith.andi %ne3A_51, %ne3A_54 : i1
      %sub3A_56 = arith.constant 1 : i32
      %sub3A_57 = arith.subi %div3A_36, %sub3A_56 : i32
      %select_n3A_58 = arith.select %and3A_55, %sub3A_57, %div3A_36 : i32
      %mul3A_59 = arith.constant 64 : i32
      %mul3A_60 = arith.muli %select_n3A_58, %mul3A_59 : i32
      %get3A_61 = arith.constant 0 : i32
      %get3A_62 = arith.index_cast %get3A_61 : i32 to index
      %get3A_63 = arith.constant 0 : index
      %get3A_64 = tpu.vector_load %arg7[%get3A_62, %get3A_63] {strides = array<i32>} : memref<1x64xf32, #tpu.memory_space<vmem>>, vector<1x16xf32>,
      %get3A_65 = vector.shape_cast %get3A_64 : vector<1x16xf32> to vector<16xf32>
      %add3A_66 = arith.constant 0 : i32
      %add3A_67 = arith.addi %mul3A_60, %add3A_66 : i32
      %swap3A = arith.index_cast %sub3A_34 : i32 to index
      %swap3A_68 = arith.index_cast %add3A_67 : i32 to index
      %swap3A_69 = tpu.vector_load %arg5[%swap3A, %swap3A_68] {strides = array<i32>} : memref<64x128xf32, #tpu.memory_space<vmem>>, vector<1x16xf32>,
      %swap3A_70 = vector.shape_cast %swap3A_69 : vector<1x16xf32> to vector<16xf32>
      %swap3A_71 = vector.shape_cast %get3A_65 : vector<16xf32> to vector<1x16xf32>
      tpu.vector_store %arg5[%swap3A, %swap3A_68], %swap3A_71 {strides = array<i32>} : memref<64x128xf32, #tpu.memory_space<vmem>>, vector<1x16xf32>,
      %get3A_72 = arith.constant 0 : i32
      %get3A_73 = arith.index_cast %get3A_72 : i32 to index
      %get3A_74 = arith.constant 16 : index
      %get3A_75 = tpu.vector_load %arg7[%get3A_73, %get3A_74] {strides = array<i32>} : memref<1x64xf32, #tpu.memory_space<vmem>>, vector<1x16xf32>,
      %get3A_76 = vector.shape_cast %get3A_75 : vector<1x16xf32> to vector<16xf32>
      %add3A_77 = arith.constant 16 : i32
      %add3A_78 = arith.addi %mul3A_60, %add3A_77 : i32
      %swap3A_79 = arith.index_cast %sub3A_34 : i32 to index
      %swap3A_80 = arith.index_cast %add3A_78 : i32 to index
      %swap3A_81 = tpu.vector_load %arg5[%swap3A_79, %swap3A_80] {strides = array<i32>} : memref<64x128xf32, #tpu.memory_space<vmem>>, vector<1x16xf32>,
      %swap3A_82 = vector.shape_cast %swap3A_81 : vector<1x16xf32> to vector<16xf32>
      %swap3A_83 = vector.shape_cast %get3A_76 : vector<16xf32> to vector<1x16xf32>
      tpu.vector_store %arg5[%swap3A_79, %swap3A_80], %swap3A_83 {strides = array<i32>} : memref<64x128xf32, #tpu.memory_space<vmem>>, vector<1x16xf32>,
      %get3A_84 = arith.constant 0 : i32
      %get3A_85 = arith.index_cast %get3A_84 : i32 to index
      %get3A_86 = arith.constant 32 : index
      %get3A_87 = tpu.vector_load %arg7[%get3A_85, %get3A_86] {strides = array<i32>} : memref<1x64xf32, #tpu.memory_space<vmem>>, vector<1x16xf32>,
      %get3A_88 = vector.shape_cast %get3A_87 : vector<1x16xf32> to vector<16xf32>
      %add3A_89 = arith.constant 32 : i32
      %add3A_90 = arith.addi %mul3A_60, %add3A_89 : i32
      %swap3A_91 = arith.index_cast %sub3A_34 : i32 to index
      %swap3A_92 = arith.index_cast %add3A_90 : i32 to index
      %swap3A_93 = tpu.vector_load %arg5[%swap3A_91, %swap3A_92] {strides = array<i32>} : memref<64x128xf32, #tpu.memory_space<vmem>>, vector<1x16xf32>,
      %swap3A_94 = vector.shape_cast %swap3A_93 : vector<1x16xf32> to vector<16xf32>
      %swap3A_95 = vector.shape_cast %get3A_88 : vector<16xf32> to vector<1x16xf32>
      tpu.vector_store %arg5[%swap3A_91, %swap3A_92], %swap3A_95 {strides = array<i32>} : memref<64x128xf32, #tpu.memory_space<vmem>>, vector<1x16xf32>,
      %get3A_96 = arith.constant 0 : i32
      %get3A_97 = arith.index_cast %get3A_96 : i32 to index
      %get3A_98 = arith.constant 48 : index
      %get3A_99 = tpu.vector_load %arg7[%get3A_97, %get3A_98] {strides = array<i32>} : memref<1x64xf32, #tpu.memory_space<vmem>>, vector<1x16xf32>,
      %get3A_100 = vector.shape_cast %get3A_99 : vector<1x16xf32> to vector<16xf32>
      %add3A_101 = arith.constant 48 : i32
      %add3A_102 = arith.addi %mul3A_60, %add3A_101 : i32
      %swap3A_103 = arith.index_cast %sub3A_34 : i32 to index
      %swap3A_104 = arith.index_cast %add3A_102 : i32 to index
      %swap3A_105 = tpu.vector_load %arg5[%swap3A_103, %swap3A_104] {strides = array<i32>} : memref<64x128xf32, #tpu.memory_space<vmem>>, vector<1x16xf32>,
      %swap3A_106 = vector.shape_cast %swap3A_105 : vector<1x16xf32> to vector<16xf32>
      %swap3A_107 = vector.shape_cast %get3A_100 : vector<16xf32> to vector<1x16xf32>
      tpu.vector_store %arg5[%swap3A_103, %swap3A_104], %swap3A_107 {strides = array<i32>} : memref<64x128xf32, #tpu.memory_space<vmem>>, vector<1x16xf32>,
    } else {
    }
    "tpu.region"() ({
      %run_scoped3A = tpu.sem_alloc : memref<!tpu.dma_semaphore, #tpu.memory_space<semaphore_mem>>
      %dma_start3A = arith.constant 0 : i32
      %dma_start3A_34 = tpu.memref_slice %arg4[%mul3A_2, %dma_start3A] : memref<2048x128xf32, #tpu.memory_space<hbm>> -> memref<64x128xf32, #tpu.memory_space<hbm>>
      %dma_start3A_35 = arith.constant 0 : i32
      %dma_start3A_36 = tpu.memref_slice %arg4[%mul3A_2, %dma_start3A_35] : memref<2048x128xf32, #tpu.memory_space<hbm>> -> memref<64x128xf32, #tpu.memory_space<hbm>>
      tpu.enqueue_dma source(%arg5 : memref<64x128xf32, #tpu.memory_space<vmem>>) target(%dma_start3A_36 : memref<64x128xf32, #tpu.memory_space<hbm>>) target_semaphore(%run_scoped3A : memref<!tpu.dma_semaphore, #tpu.memory_space<semaphore_mem>>)
      %dma_wait3A = arith.constant 0 : i32
      %dma_wait3A_37 = tpu.memref_slice %arg4[%mul3A_2, %dma_wait3A] : memref<2048x128xf32, #tpu.memory_space<hbm>> -> memref<64x128xf32, #tpu.memory_space<hbm>>
      %dma_wait3A_38 = arith.constant 0 : i32
      %dma_wait3A_39 = tpu.memref_slice %arg4[%mul3A_2, %dma_wait3A_38] : memref<2048x128xf32, #tpu.memory_space<hbm>> -> memref<64x128xf32, #tpu.memory_space<hbm>>
      tpu.wait_dma2 semaphore(%run_scoped3A : memref<!tpu.dma_semaphore, #tpu.memory_space<semaphore_mem>>) src(%arg5 : memref<64x128xf32, #tpu.memory_space<vmem>>) dst(%dma_wait3A_39 : memref<64x128xf32, #tpu.memory_space<hbm>>)
      tpu.yield
    }) : () -> ()
    return
  }
}

module attributes {stable_mosaic.version = 14 : i64} {
  func.func @_tc_body(%arg0: i32, %arg1: memref<1024x768xf32, #tpu.memory_space<vmem>>, %arg2: memref<640x768xf32, #tpu.memory_space<vmem>>, %arg3: memref<1x640xf32, #tpu.memory_space<vmem>>, %arg4: memref<8x128xi32, #tpu.memory_space<vmem>>) attributes {dimension_semantics = [#tpu.dimension_semantics<arbitrary>], iteration_bounds = array<i64: 2>, scalar_prefetch = 0 : i64, scratch_operands = 0 : i64, tpu.core_type = #tpu.core_type<tc>, window_params = [{transform_indices = @transform_0, window_bounds = array<i64: 1024, 768>}, {pipeline_mode = #tpu.pipeline_mode<synchronous>, transform_indices = @transform_1, window_bounds = array<i64: 640, 768>}, {pipeline_mode = #tpu.pipeline_mode<synchronous>, transform_indices = @transform_2, window_bounds = array<i64: 1, 640>}, {pipeline_mode = #tpu.pipeline_mode<synchronous>, transform_indices = @transform_3, window_bounds = array<i64: 8, 128>}]} {
    %get3A = arith.constant 0 : index
    %get3A_0 = arith.constant 0 : index
    %get3A_1 = vector.load %arg2[%get3A, %get3A_0] : memref<640x768xf32, #tpu.memory_space<vmem>>, vector<640x768xf32>
    %get3A_2 = arith.constant 0 : index
    %get3A_3 = arith.constant 0 : index
    %get3A_4 = vector.load %arg3[%get3A_2, %get3A_3] : memref<1x640xf32, #tpu.memory_space<vmem>>, vector<1x640xf32>
    %iota3A = tpu.iota {dimensions = array<i32: 0>} : vector<256x640xi32>
    %iota3A_5 = tpu.iota {dimensions = array<i32: 1>} : vector<256x640xi32>
    %mul3A = arith.constant 640 : i32
    %mul3A_6 = vector.broadcast %mul3A : i32 to vector<256x640xi32>
    %mul3A_7 = arith.muli %iota3A, %mul3A_6 : vector<256x640xi32>
    %add3A = arith.addi %mul3A_7, %iota3A_5 : vector<256x640xi32>
    %iota3A_8 = tpu.iota {dimensions = array<i32: 1>} : vector<1x128xi32>
    %get3A_9 = arith.constant 0 : index
    %get3A_10 = arith.constant 0 : index
    %get3A_11 = vector.load %arg1[%get3A_9, %get3A_10] : memref<1024x768xf32, #tpu.memory_space<vmem>>, vector<256x768xf32>
    %dot_general3A = arith.constant dense<0.000000e+00> : vector<256x640xf32>
    %dot_general3A_12 = tpu.matmul %get3A_11, %get3A_1, %dot_general3A {dimension_numbers = #tpu.dot_dimension_numbers<[1], [1], [0], [0], [0, 0, 1, 0], [], []>, transpose_lhs_hint = false} : vector<256x768xf32>, vector<640x768xf32>, vector<256x640xf32> -> vector<256x640xf32>
    %add3A_13 = vector.broadcast %get3A_4 : vector<1x640xf32> to vector<256x640xf32>
    %add3A_14 = arith.addf %dot_general3A_12, %add3A_13 : vector<256x640xf32>
    %reduce_max3A = vector.shape_cast %add3A_14 : vector<256x640xf32> to vector<1x256x640xf32>
    %reduce_max3A_15 = arith.constant dense<0xFF800000> : vector<1xf32>
    %reduce_max3A_16 = vector.multi_reduction <maximumf>, %reduce_max3A, %reduce_max3A_15 [1, 2] : vector<1x256x640xf32> to vector<1xf32>
    %reduce_max3A_17 = vector.shape_cast %reduce_max3A_16 : vector<1xf32> to vector<1x1x1xf32>
    %reduce_max3A_18 = vector.extract %reduce_max3A_17[0, 0, 0] : f32 from vector<1x1x1xf32>
    %eq3A = vector.broadcast %reduce_max3A_18 : f32 to vector<256x640xf32>
    %eq3A_19 = arith.cmpf oeq, %add3A_14, %eq3A : vector<256x640xf32>
    %jit3A = arith.constant 163840 : i32
    %broadcast_in_dim3A = vector.broadcast %jit3A : i32 to vector<256x640xi32>
    %select_n3A = arith.select %eq3A_19, %add3A, %broadcast_in_dim3A : vector<256x640xi1>, vector<256x640xi32>
    %reduce_min3A = vector.shape_cast %select_n3A : vector<256x640xi32> to vector<1x256x640xi32>
    %reduce_min3A_20 = arith.constant dense<2147483647> : vector<1xi32>
    %reduce_min3A_21 = vector.multi_reduction <minsi>, %reduce_min3A, %reduce_min3A_20 [1, 2] : vector<1x256x640xi32> to vector<1xi32>
    %reduce_min3A_22 = vector.shape_cast %reduce_min3A_21 : vector<1xi32> to vector<1x1x1xi32>
    %reduce_min3A_23 = vector.extract %reduce_min3A_22[0, 0, 0] : i32 from vector<1x1x1xi32>
    %jit3A_24 = arith.constant 640 : i32
    %div3A = arith.divsi %reduce_min3A_23, %jit3A_24 : i32
    %sign3A = arith.constant 0 : i32
    %sign3A_25 = arith.cmpi sgt, %reduce_min3A_23, %sign3A : i32
    %sign3A_26 = arith.extui %sign3A_25 : i1 to i32
    %sign3A_27 = arith.constant 0 : i32
    %sign3A_28 = arith.cmpi slt, %reduce_min3A_23, %sign3A_27 : i32
    %sign3A_29 = arith.extui %sign3A_28 : i1 to i32
    %sign3A_30 = arith.subi %sign3A_26, %sign3A_29 : i32
    %sign3A_31 = arith.constant 0 : i32
    %sign3A_32 = arith.cmpi sgt, %jit3A_24, %sign3A_31 : i32
    %sign3A_33 = arith.extui %sign3A_32 : i1 to i32
    %sign3A_34 = arith.constant 0 : i32
    %sign3A_35 = arith.cmpi slt, %jit3A_24, %sign3A_34 : i32
    %sign3A_36 = arith.extui %sign3A_35 : i1 to i32
    %sign3A_37 = arith.subi %sign3A_33, %sign3A_36 : i32
    %ne3A = arith.cmpi ne, %sign3A_30, %sign3A_37 : i32
    %rem3A = arith.remsi %reduce_min3A_23, %jit3A_24 : i32
    %ne3A_38 = arith.constant 0 : i32
    %ne3A_39 = arith.cmpi ne, %rem3A, %ne3A_38 : i32
    %and3A = arith.andi %ne3A, %ne3A_39 : i1
    %sub3A = arith.constant 1 : i32
    %sub3A_40 = arith.subi %div3A, %sub3A : i32
    %select_n3A_41 = arith.select %and3A, %sub3A_40, %div3A : i32
    %mul3A_42 = arith.constant 640 : i32
    %mul3A_43 = arith.muli %select_n3A_41, %mul3A_42 : i32
    %sub3A_44 = arith.subi %reduce_min3A_23, %mul3A_43 : i32
    %mul3A_45 = arith.constant 4 : i32
    %mul3A_46 = arith.muli %arg0, %mul3A_45 : i32
    %add3A_47 = arith.constant 0 : i32
    %add3A_48 = arith.addi %mul3A_46, %add3A_47 : i32
    %mul3A_49 = arith.constant 256 : i32
    %mul3A_50 = arith.muli %add3A_48, %mul3A_49 : i32
    %add3A_51 = arith.addi %mul3A_50, %select_n3A_41 : i32
    %eq3A_52 = arith.constant 0 : i32
    %eq3A_53 = vector.broadcast %eq3A_52 : i32 to vector<1x128xi32>
    %eq3A_54 = arith.cmpi eq, %iota3A_8, %eq3A_53 : vector<1x128xi32>
    %eq3A_55 = arith.constant 1 : i32
    %eq3A_56 = vector.broadcast %eq3A_55 : i32 to vector<1x128xi32>
    %eq3A_57 = arith.cmpi eq, %iota3A_8, %eq3A_56 : vector<1x128xi32>
    %jit3A_58 = arith.constant 0 : i32
    %broadcast_in_dim3A_59 = vector.broadcast %sub3A_44 : i32 to vector<1x128xi32>
    %broadcast_in_dim3A_60 = vector.broadcast %jit3A_58 : i32 to vector<1x128xi32>
    %select_n3A_61 = arith.select %eq3A_57, %broadcast_in_dim3A_59, %broadcast_in_dim3A_60 : vector<1x128xi1>, vector<1x128xi32>
    %broadcast_in_dim3A_62 = vector.broadcast %add3A_51 : i32 to vector<1x128xi32>
    %select_n3A_63 = arith.select %eq3A_54, %broadcast_in_dim3A_62, %select_n3A_61 : vector<1x128xi1>, vector<1x128xi32>
    %mul3A_64 = arith.constant 4 : i32
    %mul3A_65 = arith.muli %arg0, %mul3A_64 : i32
    %add3A_66 = arith.constant 0 : i32
    %add3A_67 = arith.addi %mul3A_65, %add3A_66 : i32
    %swap3A = arith.index_cast %add3A_67 : i32 to index
    %swap3A_68 = arith.constant 0 : index
    %swap3A_69 = vector.load %arg4[%swap3A, %swap3A_68] : memref<8x128xi32, #tpu.memory_space<vmem>>, vector<1x128xi32>
    tpu.vector_store %arg4[%swap3A, %swap3A_68], %select_n3A_63 {strides = array<i32>} : memref<8x128xi32, #tpu.memory_space<vmem>>, vector<1x128xi32>,
    %get3A_70 = arith.constant 256 : index
    %get3A_71 = arith.constant 0 : index
    %get3A_72 = vector.load %arg1[%get3A_70, %get3A_71] : memref<1024x768xf32, #tpu.memory_space<vmem>>, vector<256x768xf32>
    %dot_general3A_73 = arith.constant dense<0.000000e+00> : vector<256x640xf32>
    %dot_general3A_74 = tpu.matmul %get3A_72, %get3A_1, %dot_general3A_73 {dimension_numbers = #tpu.dot_dimension_numbers<[1], [1], [0], [0], [0, 0, 1, 0], [], []>, transpose_lhs_hint = false} : vector<256x768xf32>, vector<640x768xf32>, vector<256x640xf32> -> vector<256x640xf32>
    %add3A_75 = vector.broadcast %get3A_4 : vector<1x640xf32> to vector<256x640xf32>
    %add3A_76 = arith.addf %dot_general3A_74, %add3A_75 : vector<256x640xf32>
    %reduce_max3A_77 = vector.shape_cast %add3A_76 : vector<256x640xf32> to vector<1x256x640xf32>
    %reduce_max3A_78 = arith.constant dense<0xFF800000> : vector<1xf32>
    %reduce_max3A_79 = vector.multi_reduction <maximumf>, %reduce_max3A_77, %reduce_max3A_78 [1, 2] : vector<1x256x640xf32> to vector<1xf32>
    %reduce_max3A_80 = vector.shape_cast %reduce_max3A_79 : vector<1xf32> to vector<1x1x1xf32>
    %reduce_max3A_81 = vector.extract %reduce_max3A_80[0, 0, 0] : f32 from vector<1x1x1xf32>
    %eq3A_82 = vector.broadcast %reduce_max3A_81 : f32 to vector<256x640xf32>
    %eq3A_83 = arith.cmpf oeq, %add3A_76, %eq3A_82 : vector<256x640xf32>
    %jit3A_84 = arith.constant 163840 : i32
    %broadcast_in_dim3A_85 = vector.broadcast %jit3A_84 : i32 to vector<256x640xi32>
    %select_n3A_86 = arith.select %eq3A_83, %add3A, %broadcast_in_dim3A_85 : vector<256x640xi1>, vector<256x640xi32>
    %reduce_min3A_87 = vector.shape_cast %select_n3A_86 : vector<256x640xi32> to vector<1x256x640xi32>
    %reduce_min3A_88 = arith.constant dense<2147483647> : vector<1xi32>
    %reduce_min3A_89 = vector.multi_reduction <minsi>, %reduce_min3A_87, %reduce_min3A_88 [1, 2] : vector<1x256x640xi32> to vector<1xi32>
    %reduce_min3A_90 = vector.shape_cast %reduce_min3A_89 : vector<1xi32> to vector<1x1x1xi32>
    %reduce_min3A_91 = vector.extract %reduce_min3A_90[0, 0, 0] : i32 from vector<1x1x1xi32>
    %jit3A_92 = arith.constant 640 : i32
    %div3A_93 = arith.divsi %reduce_min3A_91, %jit3A_92 : i32
    %sign3A_94 = arith.constant 0 : i32
    %sign3A_95 = arith.cmpi sgt, %reduce_min3A_91, %sign3A_94 : i32
    %sign3A_96 = arith.extui %sign3A_95 : i1 to i32
    %sign3A_97 = arith.constant 0 : i32
    %sign3A_98 = arith.cmpi slt, %reduce_min3A_91, %sign3A_97 : i32
    %sign3A_99 = arith.extui %sign3A_98 : i1 to i32
    %sign3A_100 = arith.subi %sign3A_96, %sign3A_99 : i32
    %sign3A_101 = arith.constant 0 : i32
    %sign3A_102 = arith.cmpi sgt, %jit3A_92, %sign3A_101 : i32
    %sign3A_103 = arith.extui %sign3A_102 : i1 to i32
    %sign3A_104 = arith.constant 0 : i32
    %sign3A_105 = arith.cmpi slt, %jit3A_92, %sign3A_104 : i32
    %sign3A_106 = arith.extui %sign3A_105 : i1 to i32
    %sign3A_107 = arith.subi %sign3A_103, %sign3A_106 : i32
    %ne3A_108 = arith.cmpi ne, %sign3A_100, %sign3A_107 : i32
    %rem3A_109 = arith.remsi %reduce_min3A_91, %jit3A_92 : i32
    %ne3A_110 = arith.constant 0 : i32
    %ne3A_111 = arith.cmpi ne, %rem3A_109, %ne3A_110 : i32
    %and3A_112 = arith.andi %ne3A_108, %ne3A_111 : i1
    %sub3A_113 = arith.constant 1 : i32
    %sub3A_114 = arith.subi %div3A_93, %sub3A_113 : i32
    %select_n3A_115 = arith.select %and3A_112, %sub3A_114, %div3A_93 : i32
    %mul3A_116 = arith.constant 640 : i32
    %mul3A_117 = arith.muli %select_n3A_115, %mul3A_116 : i32
    %sub3A_118 = arith.subi %reduce_min3A_91, %mul3A_117 : i32
    %mul3A_119 = arith.constant 4 : i32
    %mul3A_120 = arith.muli %arg0, %mul3A_119 : i32
    %add3A_121 = arith.constant 1 : i32
    %add3A_122 = arith.addi %mul3A_120, %add3A_121 : i32
    %mul3A_123 = arith.constant 256 : i32
    %mul3A_124 = arith.muli %add3A_122, %mul3A_123 : i32
    %add3A_125 = arith.addi %mul3A_124, %select_n3A_115 : i32
    %eq3A_126 = arith.constant 0 : i32
    %eq3A_127 = vector.broadcast %eq3A_126 : i32 to vector<1x128xi32>
    %eq3A_128 = arith.cmpi eq, %iota3A_8, %eq3A_127 : vector<1x128xi32>
    %eq3A_129 = arith.constant 1 : i32
    %eq3A_130 = vector.broadcast %eq3A_129 : i32 to vector<1x128xi32>
    %eq3A_131 = arith.cmpi eq, %iota3A_8, %eq3A_130 : vector<1x128xi32>
    %jit3A_132 = arith.constant 0 : i32
    %broadcast_in_dim3A_133 = vector.broadcast %sub3A_118 : i32 to vector<1x128xi32>
    %broadcast_in_dim3A_134 = vector.broadcast %jit3A_132 : i32 to vector<1x128xi32>
    %select_n3A_135 = arith.select %eq3A_131, %broadcast_in_dim3A_133, %broadcast_in_dim3A_134 : vector<1x128xi1>, vector<1x128xi32>
    %broadcast_in_dim3A_136 = vector.broadcast %add3A_125 : i32 to vector<1x128xi32>
    %select_n3A_137 = arith.select %eq3A_128, %broadcast_in_dim3A_136, %select_n3A_135 : vector<1x128xi1>, vector<1x128xi32>
    %mul3A_138 = arith.constant 4 : i32
    %mul3A_139 = arith.muli %arg0, %mul3A_138 : i32
    %add3A_140 = arith.constant 1 : i32
    %add3A_141 = arith.addi %mul3A_139, %add3A_140 : i32
    %swap3A_142 = arith.index_cast %add3A_141 : i32 to index
    %swap3A_143 = arith.constant 0 : index
    %swap3A_144 = vector.load %arg4[%swap3A_142, %swap3A_143] : memref<8x128xi32, #tpu.memory_space<vmem>>, vector<1x128xi32>
    tpu.vector_store %arg4[%swap3A_142, %swap3A_143], %select_n3A_137 {strides = array<i32>} : memref<8x128xi32, #tpu.memory_space<vmem>>, vector<1x128xi32>,
    %get3A_145 = arith.constant 512 : index
    %get3A_146 = arith.constant 0 : index
    %get3A_147 = vector.load %arg1[%get3A_145, %get3A_146] : memref<1024x768xf32, #tpu.memory_space<vmem>>, vector<256x768xf32>
    %dot_general3A_148 = arith.constant dense<0.000000e+00> : vector<256x640xf32>
    %dot_general3A_149 = tpu.matmul %get3A_147, %get3A_1, %dot_general3A_148 {dimension_numbers = #tpu.dot_dimension_numbers<[1], [1], [0], [0], [0, 0, 1, 0], [], []>, transpose_lhs_hint = false} : vector<256x768xf32>, vector<640x768xf32>, vector<256x640xf32> -> vector<256x640xf32>
    %add3A_150 = vector.broadcast %get3A_4 : vector<1x640xf32> to vector<256x640xf32>
    %add3A_151 = arith.addf %dot_general3A_149, %add3A_150 : vector<256x640xf32>
    %reduce_max3A_152 = vector.shape_cast %add3A_151 : vector<256x640xf32> to vector<1x256x640xf32>
    %reduce_max3A_153 = arith.constant dense<0xFF800000> : vector<1xf32>
    %reduce_max3A_154 = vector.multi_reduction <maximumf>, %reduce_max3A_152, %reduce_max3A_153 [1, 2] : vector<1x256x640xf32> to vector<1xf32>
    %reduce_max3A_155 = vector.shape_cast %reduce_max3A_154 : vector<1xf32> to vector<1x1x1xf32>
    %reduce_max3A_156 = vector.extract %reduce_max3A_155[0, 0, 0] : f32 from vector<1x1x1xf32>
    %eq3A_157 = vector.broadcast %reduce_max3A_156 : f32 to vector<256x640xf32>
    %eq3A_158 = arith.cmpf oeq, %add3A_151, %eq3A_157 : vector<256x640xf32>
    %jit3A_159 = arith.constant 163840 : i32
    %broadcast_in_dim3A_160 = vector.broadcast %jit3A_159 : i32 to vector<256x640xi32>
    %select_n3A_161 = arith.select %eq3A_158, %add3A, %broadcast_in_dim3A_160 : vector<256x640xi1>, vector<256x640xi32>
    %reduce_min3A_162 = vector.shape_cast %select_n3A_161 : vector<256x640xi32> to vector<1x256x640xi32>
    %reduce_min3A_163 = arith.constant dense<2147483647> : vector<1xi32>
    %reduce_min3A_164 = vector.multi_reduction <minsi>, %reduce_min3A_162, %reduce_min3A_163 [1, 2] : vector<1x256x640xi32> to vector<1xi32>
    %reduce_min3A_165 = vector.shape_cast %reduce_min3A_164 : vector<1xi32> to vector<1x1x1xi32>
    %reduce_min3A_166 = vector.extract %reduce_min3A_165[0, 0, 0] : i32 from vector<1x1x1xi32>
    %jit3A_167 = arith.constant 640 : i32
    %div3A_168 = arith.divsi %reduce_min3A_166, %jit3A_167 : i32
    %sign3A_169 = arith.constant 0 : i32
    %sign3A_170 = arith.cmpi sgt, %reduce_min3A_166, %sign3A_169 : i32
    %sign3A_171 = arith.extui %sign3A_170 : i1 to i32
    %sign3A_172 = arith.constant 0 : i32
    %sign3A_173 = arith.cmpi slt, %reduce_min3A_166, %sign3A_172 : i32
    %sign3A_174 = arith.extui %sign3A_173 : i1 to i32
    %sign3A_175 = arith.subi %sign3A_171, %sign3A_174 : i32
    %sign3A_176 = arith.constant 0 : i32
    %sign3A_177 = arith.cmpi sgt, %jit3A_167, %sign3A_176 : i32
    %sign3A_178 = arith.extui %sign3A_177 : i1 to i32
    %sign3A_179 = arith.constant 0 : i32
    %sign3A_180 = arith.cmpi slt, %jit3A_167, %sign3A_179 : i32
    %sign3A_181 = arith.extui %sign3A_180 : i1 to i32
    %sign3A_182 = arith.subi %sign3A_178, %sign3A_181 : i32
    %ne3A_183 = arith.cmpi ne, %sign3A_175, %sign3A_182 : i32
    %rem3A_184 = arith.remsi %reduce_min3A_166, %jit3A_167 : i32
    %ne3A_185 = arith.constant 0 : i32
    %ne3A_186 = arith.cmpi ne, %rem3A_184, %ne3A_185 : i32
    %and3A_187 = arith.andi %ne3A_183, %ne3A_186 : i1
    %sub3A_188 = arith.constant 1 : i32
    %sub3A_189 = arith.subi %div3A_168, %sub3A_188 : i32
    %select_n3A_190 = arith.select %and3A_187, %sub3A_189, %div3A_168 : i32
    %mul3A_191 = arith.constant 640 : i32
    %mul3A_192 = arith.muli %select_n3A_190, %mul3A_191 : i32
    %sub3A_193 = arith.subi %reduce_min3A_166, %mul3A_192 : i32
    %mul3A_194 = arith.constant 4 : i32
    %mul3A_195 = arith.muli %arg0, %mul3A_194 : i32
    %add3A_196 = arith.constant 2 : i32
    %add3A_197 = arith.addi %mul3A_195, %add3A_196 : i32
    %mul3A_198 = arith.constant 256 : i32
    %mul3A_199 = arith.muli %add3A_197, %mul3A_198 : i32
    %add3A_200 = arith.addi %mul3A_199, %select_n3A_190 : i32
    %eq3A_201 = arith.constant 0 : i32
    %eq3A_202 = vector.broadcast %eq3A_201 : i32 to vector<1x128xi32>
    %eq3A_203 = arith.cmpi eq, %iota3A_8, %eq3A_202 : vector<1x128xi32>
    %eq3A_204 = arith.constant 1 : i32
    %eq3A_205 = vector.broadcast %eq3A_204 : i32 to vector<1x128xi32>
    %eq3A_206 = arith.cmpi eq, %iota3A_8, %eq3A_205 : vector<1x128xi32>
    %jit3A_207 = arith.constant 0 : i32
    %broadcast_in_dim3A_208 = vector.broadcast %sub3A_193 : i32 to vector<1x128xi32>
    %broadcast_in_dim3A_209 = vector.broadcast %jit3A_207 : i32 to vector<1x128xi32>
    %select_n3A_210 = arith.select %eq3A_206, %broadcast_in_dim3A_208, %broadcast_in_dim3A_209 : vector<1x128xi1>, vector<1x128xi32>
    %broadcast_in_dim3A_211 = vector.broadcast %add3A_200 : i32 to vector<1x128xi32>
    %select_n3A_212 = arith.select %eq3A_203, %broadcast_in_dim3A_211, %select_n3A_210 : vector<1x128xi1>, vector<1x128xi32>
    %mul3A_213 = arith.constant 4 : i32
    %mul3A_214 = arith.muli %arg0, %mul3A_213 : i32
    %add3A_215 = arith.constant 2 : i32
    %add3A_216 = arith.addi %mul3A_214, %add3A_215 : i32
    %swap3A_217 = arith.index_cast %add3A_216 : i32 to index
    %swap3A_218 = arith.constant 0 : index
    %swap3A_219 = vector.load %arg4[%swap3A_217, %swap3A_218] : memref<8x128xi32, #tpu.memory_space<vmem>>, vector<1x128xi32>
    tpu.vector_store %arg4[%swap3A_217, %swap3A_218], %select_n3A_212 {strides = array<i32>} : memref<8x128xi32, #tpu.memory_space<vmem>>, vector<1x128xi32>,
    %get3A_220 = arith.constant 768 : index
    %get3A_221 = arith.constant 0 : index
    %get3A_222 = vector.load %arg1[%get3A_220, %get3A_221] : memref<1024x768xf32, #tpu.memory_space<vmem>>, vector<256x768xf32>
    %dot_general3A_223 = arith.constant dense<0.000000e+00> : vector<256x640xf32>
    %dot_general3A_224 = tpu.matmul %get3A_222, %get3A_1, %dot_general3A_223 {dimension_numbers = #tpu.dot_dimension_numbers<[1], [1], [0], [0], [0, 0, 1, 0], [], []>, transpose_lhs_hint = false} : vector<256x768xf32>, vector<640x768xf32>, vector<256x640xf32> -> vector<256x640xf32>
    %add3A_225 = vector.broadcast %get3A_4 : vector<1x640xf32> to vector<256x640xf32>
    %add3A_226 = arith.addf %dot_general3A_224, %add3A_225 : vector<256x640xf32>
    %reduce_max3A_227 = vector.shape_cast %add3A_226 : vector<256x640xf32> to vector<1x256x640xf32>
    %reduce_max3A_228 = arith.constant dense<0xFF800000> : vector<1xf32>
    %reduce_max3A_229 = vector.multi_reduction <maximumf>, %reduce_max3A_227, %reduce_max3A_228 [1, 2] : vector<1x256x640xf32> to vector<1xf32>
    %reduce_max3A_230 = vector.shape_cast %reduce_max3A_229 : vector<1xf32> to vector<1x1x1xf32>
    %reduce_max3A_231 = vector.extract %reduce_max3A_230[0, 0, 0] : f32 from vector<1x1x1xf32>
    %eq3A_232 = vector.broadcast %reduce_max3A_231 : f32 to vector<256x640xf32>
    %eq3A_233 = arith.cmpf oeq, %add3A_226, %eq3A_232 : vector<256x640xf32>
    %jit3A_234 = arith.constant 163840 : i32
    %broadcast_in_dim3A_235 = vector.broadcast %jit3A_234 : i32 to vector<256x640xi32>
    %select_n3A_236 = arith.select %eq3A_233, %add3A, %broadcast_in_dim3A_235 : vector<256x640xi1>, vector<256x640xi32>
    %reduce_min3A_237 = vector.shape_cast %select_n3A_236 : vector<256x640xi32> to vector<1x256x640xi32>
    %reduce_min3A_238 = arith.constant dense<2147483647> : vector<1xi32>
    %reduce_min3A_239 = vector.multi_reduction <minsi>, %reduce_min3A_237, %reduce_min3A_238 [1, 2] : vector<1x256x640xi32> to vector<1xi32>
    %reduce_min3A_240 = vector.shape_cast %reduce_min3A_239 : vector<1xi32> to vector<1x1x1xi32>
    %reduce_min3A_241 = vector.extract %reduce_min3A_240[0, 0, 0] : i32 from vector<1x1x1xi32>
    %jit3A_242 = arith.constant 640 : i32
    %div3A_243 = arith.divsi %reduce_min3A_241, %jit3A_242 : i32
    %sign3A_244 = arith.constant 0 : i32
    %sign3A_245 = arith.cmpi sgt, %reduce_min3A_241, %sign3A_244 : i32
    %sign3A_246 = arith.extui %sign3A_245 : i1 to i32
    %sign3A_247 = arith.constant 0 : i32
    %sign3A_248 = arith.cmpi slt, %reduce_min3A_241, %sign3A_247 : i32
    %sign3A_249 = arith.extui %sign3A_248 : i1 to i32
    %sign3A_250 = arith.subi %sign3A_246, %sign3A_249 : i32
    %sign3A_251 = arith.constant 0 : i32
    %sign3A_252 = arith.cmpi sgt, %jit3A_242, %sign3A_251 : i32
    %sign3A_253 = arith.extui %sign3A_252 : i1 to i32
    %sign3A_254 = arith.constant 0 : i32
    %sign3A_255 = arith.cmpi slt, %jit3A_242, %sign3A_254 : i32
    %sign3A_256 = arith.extui %sign3A_255 : i1 to i32
    %sign3A_257 = arith.subi %sign3A_253, %sign3A_256 : i32
    %ne3A_258 = arith.cmpi ne, %sign3A_250, %sign3A_257 : i32
    %rem3A_259 = arith.remsi %reduce_min3A_241, %jit3A_242 : i32
    %ne3A_260 = arith.constant 0 : i32
    %ne3A_261 = arith.cmpi ne, %rem3A_259, %ne3A_260 : i32
    %and3A_262 = arith.andi %ne3A_258, %ne3A_261 : i1
    %sub3A_263 = arith.constant 1 : i32
    %sub3A_264 = arith.subi %div3A_243, %sub3A_263 : i32
    %select_n3A_265 = arith.select %and3A_262, %sub3A_264, %div3A_243 : i32
    %mul3A_266 = arith.constant 640 : i32
    %mul3A_267 = arith.muli %select_n3A_265, %mul3A_266 : i32
    %sub3A_268 = arith.subi %reduce_min3A_241, %mul3A_267 : i32
    %mul3A_269 = arith.constant 4 : i32
    %mul3A_270 = arith.muli %arg0, %mul3A_269 : i32
    %add3A_271 = arith.constant 3 : i32
    %add3A_272 = arith.addi %mul3A_270, %add3A_271 : i32
    %mul3A_273 = arith.constant 256 : i32
    %mul3A_274 = arith.muli %add3A_272, %mul3A_273 : i32
    %add3A_275 = arith.addi %mul3A_274, %select_n3A_265 : i32
    %eq3A_276 = arith.constant 0 : i32
    %eq3A_277 = vector.broadcast %eq3A_276 : i32 to vector<1x128xi32>
    %eq3A_278 = arith.cmpi eq, %iota3A_8, %eq3A_277 : vector<1x128xi32>
    %eq3A_279 = arith.constant 1 : i32
    %eq3A_280 = vector.broadcast %eq3A_279 : i32 to vector<1x128xi32>
    %eq3A_281 = arith.cmpi eq, %iota3A_8, %eq3A_280 : vector<1x128xi32>
    %jit3A_282 = arith.constant 0 : i32
    %broadcast_in_dim3A_283 = vector.broadcast %sub3A_268 : i32 to vector<1x128xi32>
    %broadcast_in_dim3A_284 = vector.broadcast %jit3A_282 : i32 to vector<1x128xi32>
    %select_n3A_285 = arith.select %eq3A_281, %broadcast_in_dim3A_283, %broadcast_in_dim3A_284 : vector<1x128xi1>, vector<1x128xi32>
    %broadcast_in_dim3A_286 = vector.broadcast %add3A_275 : i32 to vector<1x128xi32>
    %select_n3A_287 = arith.select %eq3A_278, %broadcast_in_dim3A_286, %select_n3A_285 : vector<1x128xi1>, vector<1x128xi32>
    %mul3A_288 = arith.constant 4 : i32
    %mul3A_289 = arith.muli %arg0, %mul3A_288 : i32
    %add3A_290 = arith.constant 3 : i32
    %add3A_291 = arith.addi %mul3A_289, %add3A_290 : i32
    %swap3A_292 = arith.index_cast %add3A_291 : i32 to index
    %swap3A_293 = arith.constant 0 : index
    %swap3A_294 = vector.load %arg4[%swap3A_292, %swap3A_293] : memref<8x128xi32, #tpu.memory_space<vmem>>, vector<1x128xi32>
    tpu.vector_store %arg4[%swap3A_292, %swap3A_293], %select_n3A_287 {strides = array<i32>} : memref<8x128xi32, #tpu.memory_space<vmem>>, vector<1x128xi32>,
    return
  }
  func.func @transform_0(%arg0: i32) -> (i32, i32) {
    %c0_i32 = arith.constant 0 : i32
    %c0_i32_0 = arith.constant 0 : i32
    return %arg0, %c0_i32 : i32, i32
  }
  func.func @transform_1(%arg0: i32) -> (i32, i32) {
    %c0_i32 = arith.constant 0 : i32
    %c0_i32_0 = arith.constant 0 : i32
    %c0_i32_1 = arith.constant 0 : i32
    return %c0_i32, %c0_i32_0 : i32, i32
  }
  func.func @transform_2(%arg0: i32) -> (i32, i32) {
    %c0_i32 = arith.constant 0 : i32
    %c0_i32_0 = arith.constant 0 : i32
    %c0_i32_1 = arith.constant 0 : i32
    return %c0_i32, %c0_i32_0 : i32, i32
  }
  func.func @transform_3(%arg0: i32) -> (i32, i32) {
    %c0_i32 = arith.constant 0 : i32
    %c0_i32_0 = arith.constant 0 : i32
    %c0_i32_1 = arith.constant 0 : i32
    return %c0_i32, %c0_i32_0 : i32, i32
  }
}

</mosaic_0001>

<sc_bundles>
// kernel: kernel.4.cloned.1.call-start
scs
__scs_entry_jumppad:
0x0: {  	(pc) =	sbr.rel $0x88, $3  }
0x1: {  	(tag) =	ssettag $0x0;
	lr =	simm.s32 $0x1  }
0x2: {  	[smem:$0x3F9D] =	sst lr;
	_ =	strace $0xD0000000  }
0x3: {  	_ = 	snop  }
0x4: {  	_ = 	snop  }
0x5: {  	_ = 	snop  }
0x6: {  	_ = 	snop  }
0x7: {  	_ = 	snop  }
__scs_overlays_trampoline_lowered:
0x8: {  	[smem:$0x3FAC] =	sst s0  }
0x9: {  	[smem:$0x3FAD] =	sst s1  }
0xa: {  	[smem:$0x3FAE] =	sst s2  }
0xb: {  	[smem:$0x3FAF] =	sst s3  }
0xc: {  	[smem:$0x3FB0] =	sst s4  }
0xd: {  	[smem:$0x3FB1] =	sst s5  }
0xe: {  	[smem:$0x3FB2] =	sst s6  }
0xf: {  	[smem:$0x3FB3] =	sst s7  }
0x10: {  	[smem:$0x3FB4] =	sst s8  }
0x11: {  	[smem:$0x3FB5] =	sst s9;
	s0 =	simm.s32 @!p0 $0x0  }
0x12: {  	s1 =	sld [smem:$0x3F9B];
	s0 =	simm.s32 @p0 $0x1  }
0x13: {  	[smem:$0x3FB6] =	sst s0;
	s0 =	simm.s32 @!p1 $0x0  }
0x14: {  	s2 =	sld [smem:$0x3F9A];
	s0 =	simm.s32 @p1 $0x1  }
0x15: {  	[smem:$0x3FB7] =	sst s0;
	s0 =	simm.s32 @!p2 $0x0  }
0x16: {  	s3 =	sld [smem:$0x3FDB];
	s0 =	simm.s32 @p2 $0x1  }
0x17: {  	s4 =	simm.s32 $0x1BF5;
	[smem:$0x3FB9] =	sst s0  }
0x18: {  	s0 =	sld [smem:$0x3F9C];
	_ =	swait.ge [sflag:s4], $0x0  }
0x19: {  	s7 =	sld [smem:$0x3F9D]  }
0x1a: {  	s8 =	sadd.s32 $0xFFFFE003, lr  }
0x1b: {  	s9 =	sadd.s32 $0xFFFFFEF7, lr;
	s5 =	simm.s32 $0xFFFFFFFF;
	p2 =	slt.u32 s8, $0xFFFFF086  }
0x1c: {  	p1 =	slt.u32 s9, $0xF7A;
	s5 =	simm.s32 @!p2 $0x0  }
0x1d: {  	s5 =	simm.s32 @p1 $0x1;
	p0 =	seq.s32 s7, s2  }
0x1e: {  	s7 =	smul.u32 @!p0 $0xF7A, s2;
	p2 =	seq.s32 @!p0 s5, $0x0  }
0x1f: {  	s9 =	smul.u32 $0xF7A, s1;
	s8 =	simm.s32 @!p0 $0x1BF5;
	p2 =	por !p2, p0  }
0x20: {  	[sflag:s8] =	ssyncset.s32 @!p0 $0xFFFFF086;
	s6 =	sadd.s32 @!p0 s3, s7;
	s7 =	simm.s32 @!p0 $0x108  }
0x21: {  	s3 =	sadd.s32 s3, s9;
	s6 =	sadd.s32 @!p0 $0x88, s6;
	s7 =	simm.s32 @p2 $0x1082  }
0x22: {  	[simem:s7], [sflag:s8] =	dma.local @!p0 [hbm:s6], $0xF7A  }
0x23: {  	s9 =	sor.u32 $0xD0000000, s2;
	s6 =	simm.s32 $0x108;
	_ =	swait.ge @!p0 [sflag:s8], $0x0  }
0x24: {  	s3 =	sadd.s32 $0x88, s3;
	s6 =	simm.s32 @!p1 $0x1082;
	[sflag:s4] =	ssyncset.s32 $0xFFFFF086  }
0x25: {  	[simem:s6], [sflag:s4] =	dma.local [hbm:s3], $0xF7A  }
0x26: {  	[smem:$0x3F9D] =	sst s1;
	(tag) =	ssettag s2;
	_ =	strace s9  }
0x27: {  	s1 =	sld [smem:$0x3FAD]  }
0x28: {  	s2 =	sld [smem:$0x3FAE]  }
0x29: {  	s4 =	sld [smem:$0x3FB0]  }
0x2a: {  	p0 =	seq.s32 s5, $0x0;
	s5 =	sld [smem:$0x3FB1]  }
0x2b: {  	s6 =	sld [smem:$0x3FB2]  }
0x2c: {  	s7 =	sld [smem:$0x3FB3]  }
0x2d: {  	s3 =	simm.s32 $0x108;
	s8 =	sld [smem:$0x3FB4]  }
0x2e: {  	s3 =	simm.s32 @!p0 $0x1082;
	s9 =	sld [smem:$0x3FB5]  }
0x2f: {  	lr =	sadd.s32 s0, s3;
	s0 =	sld [smem:$0x3FAC]  }
0x30: {  	s3 =	sld [smem:$0x3FAF]  }
0x31: {  	[smem:$0x3FB8] =	sst s10  }
0x32: {  	s10 =	sld [smem:$0x3FB6];
	_ =	sdelay $0x3  }
0x33: {  	p0 =	seq.s32 s10, $0x1;
	s10 =	sld [smem:$0x3FB8];
	_ =	sdelay $0x3  }
0x34: {  	[smem:$0x3FB8] =	sst s10  }
0x35: {  	s10 =	sld [smem:$0x3FB7];
	_ =	sdelay $0x3  }
0x36: {  	p1 =	seq.s32 s10, $0x1;
	s10 =	sld [smem:$0x3FB8];
	_ =	sdelay $0x3  }
0x37: {  	[smem:$0x3FB8] =	sst s10  }
0x38: {  	s10 =	sld [smem:$0x3FB9]  }
0x39: {  	_ = 	snop;
	(pc) =	sbr.ind lr, $3  }
0x3a: {  	_ = 	snop  }
0x3b: {  	_ = 	snop  }
0x3c: {  	p2 =	seq.s32 s10, $0x1;
	s10 =	sld [smem:$0x3FB8]  }
0x3d: {  	_ =	shalt  }
0x3e: {  	_ =	shalt  }
0x3f: {  	_ =	shalt  }
0x40: {  	_ =	shalt  }
0x41: {  	_ =	shalt  }
0x42: {  	_ =	shalt  }
0x43: {  	_ =	shalt  }
0x44: {  	_ =	shalt  }
0x45: {  	_ =	shalt  }
0x46: {  	_ =	shalt  }
0x47: {  	_ =	shalt  }
0x48: {  	_ =	shalt  }
0x49: {  	_ =	shalt  }
0x4a: {  	_ =	shalt  }
0x4b: {  	_ =	shalt  }
0x4c: {  	_ =	shalt  }
0x4d: {  	_ =	shalt  }
0x4e: {  	_ =	shalt  }
0x4f: {  	_ =	shalt  }
0x50: {  	_ =	shalt  }
0x51: {  	_ =	shalt  }
0x52: {  	_ =	shalt  }
0x53: {  	_ =	shalt  }
0x54: {  	_ =	shalt  }
0x55: {  	_ =	shalt  }
0x56: {  	_ =	shalt  }
0x57: {  	_ =	shalt  }
0x58: {  	_ =	shalt  }
0x59: {  	_ =	shalt  }
0x5a: {  	_ =	shalt  }
0x5b: {  	_ =	shalt  }
0x5c: {  	_ =	shalt  }
0x5d: {  	_ =	shalt  }
0x5e: {  	_ =	shalt  }
0x5f: {  	_ =	shalt  }
0x60: {  	_ =	shalt  }
0x61: {  	_ =	shalt  }
0x62: {  	_ =	shalt  }
0x63: {  	_ =	shalt  }
0x64: {  	_ =	shalt  }
0x65: {  	_ =	shalt  }
0x66: {  	_ =	shalt  }
0x67: {  	_ =	shalt  }
0x68: {  	_ =	shalt  }
0x69: {  	_ =	shalt  }
0x6a: {  	_ =	shalt  }
0x6b: {  	_ =	shalt  }
0x6c: {  	_ =	shalt  }
0x6d: {  	_ =	shalt  }
0x6e: {  	_ =	shalt  }
0x6f: {  	_ =	shalt  }
0x70: {  	_ =	shalt  }
0x71: {  	_ =	shalt  }
0x72: {  	_ =	shalt  }
0x73: {  	_ =	shalt  }
0x74: {  	_ =	shalt  }
0x75: {  	_ =	shalt  }
0x76: {  	_ =	shalt  }
0x77: {  	_ =	shalt  }
0x78: {  	_ =	shalt  }
0x79: {  	_ =	shalt  }
0x7a: {  	_ =	shalt  }
0x7b: {  	_ =	shalt  }
0x7c: {  	_ =	shalt  }
0x7d: {  	_ =	shalt  }
0x7e: {  	_ =	shalt  }
0x7f: {  	_ =	shalt  }
0x80: {  	_ =	shalt  }
0x81: {  	_ =	shalt  }
0x82: {  	_ =	shalt  }
0x83: {  	_ =	shalt  }
0x84: {  	_ =	shalt  }
0x85: {  	_ =	shalt  }
0x86: {  	_ =	shalt  }
0x87: {  	_ =	shalt  }
.Lfunc_end0:
.L_simem_size_0:
called_computation_lowered:
.L_overlay_start_0:
0x88: {  	s2 =	sld [smem:$0x3FD9]  }
0x89: {  	s3 =	sld [smem:$0x3FFE];
	_ =	sdelay $0x1  }
0x8a: {  	s1 =	srdreg.scid  }
0x8b: {  	s0 =	sand.u32 $0x1, s1  }
0x8c: {  	s17 =	sshll.u32 s0, $0xA;
	s2 =	sadd.s32 s3, s2  }
0x8d: {  	s2 =	sadd.s32 s2, s17  }
0x8e: {  	[smem:$0x3FC4] =	sst s2  }
0x8f: {  	_ = 	snop  }
0x90: {  	s2 =	sld [smem:$0x3FD0];
	(tm) =	ssettm $0x1  }
0x91: {  	s18 =	sld [smem:$0x3FFB];
	_ =	sdelay $0x3  }
0x92: {  	_ =	strace s18  }
0x93: {  	s3 =	sld [smem:$0x3FFC];
	_ =	sdelay $0x3  }
0x94: {  	_ =	strace s3  }
0x95: {  	s3 =	sld [smem:$0x3FFD];
	_ =	sdelay $0x3  }
0x96: {  	_ =	strace s3  }
0x97: {  	_ =	strace $0x8FFFFFFF  }
0x98: {  	s19 =	sld [smem:$0x3FDB];
	_ =	sdelay $0x1  }
0x99: {  	s4 =	simm.s32 $_scs_section_size  }
0x9a: {  	s5 =	simm.s32 $_size__tile_overlayer_lowered;
	s6 =	simm.s32 $_tile_overlayer_lowered  }
0x9b: {  	s22 =	simm.s32 $0x1BFF;
	s21 =	sshll.u32 s6, $0x1;
	s3 =	sadd.s32 s4, s19  }
0x9c: {  	s7 =	simm.s32 $0x0;
	s20 =	sshll.u32 s5, $0x1;
	s5 =	sadd.s32 s21, s3  }
0x9d: {  	[timem:s7], [sflag:s22] =	dma.local [hbm:s5], s20  }
0x9e: {  	_ =	swait.ge [sflag:s22], s20  }
0x9f: {  	s4 =	ssub.s32 $0x0, s20;
	[sflag:s22] =	ssyncset.done $0x0  }
0xa0: {  	[sflag:s22] =	ssyncadd.s32 s4;
	_ =	sdelay $0x1  }
0xa1: {  	s23 =	simm.s32 $0x1B8B  }
0xa2: {  	_ =	swait.ge [sflag:s23], $0x1  }
0xa3: {  	[sflag:s23] =	ssyncset.done $0x0  }
0xa4: {  	s25 =	simm.s32 $0x1B8E;
	s24 =	sld [smem:$0x3FFE];
	[sflag:s23] =	ssyncadd.s32 $0xFFFFFFFF  }
0xa5: {  	s26 =	simm.s32 $execute0_lowered;
	[smem:$0x3FD2] =	sst s25  }
0xa6: {  	s5 =	sshll.u32 s26, $0x1;
	_ =	strace $0x80000046;
	[dreg:$0x1] =	wrdreg $0xFFFFFFFF  }
0xa7: {  	s28 =	simm.s32 $_size_execute0_lowered;
	s3 =	sadd.s32 s3, s5;
	[dreg:$0x0] =	wrdreg $0x0  }
0xa8: {  	s5 =	sshll.u32 s28, $0x1;
	[dreg:$0x2] =	wrdreg s3  }
0xa9: {  	[dreg:$0x3] =	wrdreg s5  }
0xaa: {  	[dreg:$0x4] =	wrdreg $0xC0  }
0xab: {  	_ =	task [dreg:s7], $0x5FFFF  }
0xac: {  	[dreg:$0x1] =	wrdreg $0xFFFFFFFF  }
0xad: {  	[dreg:$0x0] =	wrdreg $0x60  }
0xae: {  	[dreg:$0x2] =	wrdreg s24  }
0xaf: {  	[dreg:$0x3] =	wrdreg s2  }
0xb0: {  	[dreg:$0x4] =	wrdreg $0x9  }
0xb1: {  	_ =	task.clear_ibuf [dreg:s7], $0x5FFFF;
	_ =	strace $0x90000046  }
0xb2: {  	s29 =	simm.s32 $0x9;
	_ =	strace $0x80000048  }
0xb3: {  	_ =	swait.ge [sflag:s29], $0x1  }
0xb4: {  	[sflag:s29] =	ssyncadd.s32 $0xFFFFFFFF  }
0xb5: {  	_ =	strace $0x90000048  }
0xb6: {  	_ =	sfence  }
0xb7: {  	s30 =	sld [smem:$0x0];
	_ =	sdelay $0x2  }
0xb8: {  	s31 =	sshll.u32 s1, $0xD;
	s1 =	sshrl.u32 s1, $0x2  }
0xb9: {  	s3 =	sand.u32 $0x4000, s31;
	s1 =	sadd.s32 s1, s30  }
0xba: {  	s0 =	sor.u32 s3, s0;
	s1 =	sshll.u32 s1, $0x11  }
0xbb: {  	s0 =	sor.u32 s1, s0  }
0xbc: {  	s0 =	sadd.s32 $0x8F2B, s0  }
0xbd: {  	[sflag:s0] =	ssyncadd.remote.s32 $0x1  }
0xbe: {  	_ =	sfence.sel $0xFFFF  }
0xbf: {  	[dreg:$0x0] =	wrdreg $0xFFFFFFFF;
	(pc) =	sbr.abs _section_cstart, $3  }
0xc0: {  	[dreg:$0x1] =	wrdreg $0xFFFFFFFF  }
0xc1: {  	_ =	task.clear_ibuf [dreg:s7], $0x2FFFF;
	_ =	strace $0x9FFFFFFF  }
0xc2: {  	(tm) =	ssettm $0x7FFFFFFF  }
0xc3: {  	_ =	shalt  }
tec
execute0_lowered:
.L_overlay_start_1:
0x0: {  	(tag) =	ssettag $0x1  }
0x1: {  	s4 =	rddreg [dreg:$0x0]  }
0x2: {  	s7 =	rddreg [dreg:$0x1]  }
0x3: {  	s0 =	rddreg [dreg:$0x2]  }
0x4: {  	s2 =	simm.s32 $0x0;
	s3 =	srdreg.scid;
	s1 =	stileid.u32  }
0x5: {  	s10 =	simm.s32 $0x1;
	s12 =	simm.s32 $0x0;
	[smem:$0x7FF] =	sst s2  }
0x6: {  	s5 =	sand.u32 $0x1, s3;
	s3 =	sadd.s32 $0x3200, s4;
	s8 =	sshll.u32 s1, $0x1  }
0x7: {  	s4 =	sadd.s32 $0xA00, s4;
	s31 =	sshll.u32 s1, $0x8;
	_ =	strace $0x80000047  }
0x8: {  	s6 =	ssub.s32 $0x2, s5;
	s8 =	sor.u32 s5, s8;
	s11 =	sand.u32 $0xE00, s31  }
0x9: {  	s9 =	sshrl.u32 s6, $0x1;
	s5 =	sshll.u32 s8, $0x6;
	s8 =	sshll.u32 s8, $0xA  }
0xa: {  	s11 =	sshrl.u32 s11, $0x2;
	s9 =	ssub.s32 s6, s9;
	s6 =	sadd.s32 $0x40, s5  }
0xb: {  	v0 =	vimm.f32 $0.0e+00;
	s7 =	sadd.s32 s7, s8;
	s8 =	smax.u32 s9, $0x1;
	s9 =	simm.s32 $0x2000  }
.LBB2_1:
0xc: {  	[tilespmem:s9], [sflag:$0x1] =	stream.linear.gather [hbm4b:s3+s2], $0x400, $0x38;
	[tilespmem:$0x2480] =	vst v63  }
0xd: {  	_ =	swait.ge [sflag:s10], $0x400  }
0xe: {  	[sflag:s10] =	ssyncset.done $0x0  }
0xf: {  	s13 =	simm.s32 $0x0;
	s14 =	simm.s32 $0x200;
	[sflag:s10] =	ssyncadd.s32 $0xFFFFFC00  }
.LBB2_2:
0x10: {  	p0 =	sne.s32 s14, $0x7E00;
	[tilespmem:s13+$0x70] =	vst v0  }
0x11: {  	[tilespmem:s13+$0x0] =	vst v0  }
0x12: {  	[tilespmem:s13+$0x10] =	vst v0  }
.Ltmp0:
0x13: {  	[tilespmem:s13+$0x20] =	vst v0;
	(pc) =	sbr.rel @p0 .LBB2_2-.Ltmp0, $4  }
0x14: {  	[tilespmem:s13+$0x30] =	vst v0  }
0x15: {  	[tilespmem:s13+$0x40] =	vst v0  }
0x16: {  	[tilespmem:s13+$0x50] =	vst v0  }
0x17: {  	[tilespmem:s13+$0x60] =	vst v0;
	s13 =	sshra.s32 s14, $0x2;
	s14 =	sadd.s32 $0x200, s14  }
0x18: {  	[tilespmem:s13+$0x70] =	vst v0  }
0x19: {  	[tilespmem:s13+$0x0] =	vst v0  }
0x1a: {  	[tilespmem:s13+$0x10] =	vst v0  }
0x1b: {  	[tilespmem:s13+$0x20] =	vst v0  }
0x1c: {  	[tilespmem:s13+$0x30] =	vst v0  }
0x1d: {  	[tilespmem:s13+$0x40] =	vst v0  }
0x1e: {  	[tilespmem:s13+$0x50] =	vst v0  }
0x1f: {  	[tilespmem:s13+$0x60] =	vst v0  }
0x20: {  	v1 =	vld [tilespmem:s11+$0x2000];
	_ =	sdelay $0x4  }
0x21: {  	(v2sf) =	vpush v1, $0x0;
	_ =	sdelay $0xe  }
0x22: {  	s13 =	spop (v2sf)  }
0x23: {  	p1 =	slt.s32 s13, s5  }
0x24: {  	p2 =	sge.s32 @!p1 s13, s6  }
0x25: {  	p0 =	por p2, p1  }
0x26: {  	(v2sf) =	vpush @!p0 v1, $0x1;
	_ =	sdelay $0xe  }
0x27: {  	s14 =	spop @!p0 (v2sf)  }
0x28: {  	s15 =	sshll.u32 @!p0 s14, $0x4;
	s16 =	smulhi.u32 @!p0 $0x66666667, s14  }
0x29: {  	s18 =	simm.s32 @!p0 $0x0;
	s17 =	sshra.s32 @!p0 s14, $0x1F;
	s15 =	sand.u32 @!p0 $0x1FFFFFF0, s15  }
0x2a: {  	s19 =	simm.s32 @!p0 $0x2400;
	s17 =	smul.u32 @!p0 $0x66666667, s17;
	s15 =	sadd.s32 @!p0 s4, s15  }
0x2b: {  	[tilespmem:s19], [sflag:$0x1] =	stream.linear.gather @!p0 [hbm4b:s15+s18], $0x80, $0x38;
	[tilespmem:$0x2480] =	vst v63  }
0x2c: {  	s15 =	sadd.s32 @!p0 s17, s16  }
0x2d: {  	s16 =	sshrl.u32 @!p0 s15, $0x1F;
	s15 =	sshra.s32 @!p0 s15, $0x7  }
0x2e: {  	s15 =	sadd.s32 @!p0 s16, s15  }
0x2f: {  	s16 =	smul.u32 @!p0 $0xFFFFFEC0, s15  }
0x30: {  	s17 =	ssub.s32 @!p0 $0x0, s14  }
0x31: {  	p3 =	slt.s32 @!p0 s14, $0x1;
	p4 =	sne.s32 @!p0 s16, s17  }
0x32: {  	p3 =	por @!p0 !p3, !p4  }
0x33: {  	s14 =	simm.s32 @!p0 $0x1;
	p3 =	por @!p0 !p3, !p3  }
0x34: {  	_ =	swait.ge @!p0 [sflag:s14], $0x80;
	p2 =	por @!p1 !p3, p2  }
0x35: {  	[sflag:s14] =	ssyncset.done @!p0 $0x0;
	p1 =	por !p2, p1  }
0x36: {  	[sflag:s14] =	ssyncadd.s32 @!p0 $0xFFFFFF80;
	s14 =	simm.s32 @!p1 $0x0  }
0x37: {  	s13 =	ssub.s32 @!p0 s13, s5;
	v1 =	vld @!p0 [tilespmem:$0x2400];
	s14 =	ssub.s32 @!p0 s15, s14  }
0x38: {  	s13 =	sshll.u32 @!p0 s13, $0x9;
	s14 =	sshll.u32 @!p0 s14, $0x6  }
0x39: {  	s13 =	sshra.s32 @!p0 s13, $0x2;
	s15 =	sand.u32 @!p0 $0xFFFFFF80, s14  }
0x3a: {  	s14 =	sand.u32 @!p0 $0x40, s14;
	s13 =	sadd.s32 @!p0 s15, s13  }
0x3b: {  	s13 =	sor.u32 @!p0 s14, s13  }
0x3c: {  	[tilespmem:s13+$0x0] =	vst @!p0 v1  }
0x3d: {  	v1 =	vld @!p0 [tilespmem:$0x2410];
	_ =	sdelay $0x4  }
0x3e: {  	[tilespmem:s13+$0x10] =	vst @!p0 v1  }
0x3f: {  	v1 =	vld @!p0 [tilespmem:$0x2420];
	_ =	sdelay $0x4  }
0x40: {  	[tilespmem:s13+$0x20] =	vst @!p0 v1  }
0x41: {  	v1 =	vld @!p0 [tilespmem:$0x2430];
	_ =	sdelay $0x3  }
0x42: {  	s12 =	sadd.s32 $0x1, s12  }
0x43: {  	[tilespmem:s13+$0x30] =	vst @!p0 v1;
	p0 =	sne.s32 s12, s8  }
.Ltmp1:
0x44: {  	_ = 	snop;
	(pc) =	sbr.rel @p0 .LBB2_1-.Ltmp1, $4  }
0x45: {  	[hbm4b:s7+s2] =	stream.linear.scatter [tilespmem:s2], [sflag:$0x1], $0x2000, $0x38;
	[tilespmem:$0x2480] =	vst v63  }
0x46: {  	_ =	swait.ge [sflag:s10], $0x2000  }
0x47: {  	[sflag:s10] =	ssyncset.done $0x0  }
0x48: {  	[sflag:s10] =	ssyncadd.s32 $0xFFFFE000  }
0x49: {  	_ =	sfence.sel $0x180000  }
0x4a: {  	[bflag:$0x0] =	sbarrier.arrive $0xFFFF  }
0x4b: {  	p0 =	sne.s32 s1, $0x0;
	_ =	strace $0x90000047  }
0x4c: {  	s0 =	sadd.s32 @!p0 $0x100000, s0;
	[bflag:$0x2] =	sbarrier.arrive $0xFFFF  }
0x4d: {  	[sflag:s0] =	ssyncadd.tile.s32 @!p0 $0x1;
	_ =	shalt  }
.Lfunc_end2:
_tile_overlayer_lowered:
.L_overlay_start_2:
0x4e: {  	(tag) =	ssettag $0x2  }
0x4f: {  	s0 =	rddreg [dreg:$0x0];
	s2 =	stileid.u32  }
0x50: {  	s1 =	rddreg [dreg:$0x1];
	p0 =	sne.s32 s2, $0x0  }
0x51: {  	s3 =	rddreg [dreg:$0x2];
	[bflag:$0x3] =	sbarrier.arrive $0xFFFF;
	s2 =	simm.s32 @!p0 $0x1C01  }
0x52: {  	[timem:s3], [sflag:s2] =	dma.local @!p0 [hbm:s0], s1  }
0x53: {  	s0 =	simm.s32 @!p0 $0x1  }
0x54: {  	_ =	swait.ge @!p0 [sflag:s0], s1  }
0x55: {  	s1 =	ssub.s32 @!p0 $0x0, s1;
	[sflag:s0] =	ssyncset.done @!p0 $0x0  }
0x56: {  	[sflag:s0] =	ssyncadd.s32 @!p0 s1  }
0x57: {  	[bflag:$0x3] =	sbarrier.arrive $0xFFFF  }
0x58: {  	_ =	shalt  }

</sc_bundles>
